<compile_context>
chip_gen: v7x
topology: tpu7x:2x2x1
jax: 0.10.2.dev20260603
libtpu: 0.0.44.dev20260713+nightly
codegen_flags: <defaults>
</compile_context>

<pallas_src>
import functools

import jax
import jax.numpy as jnp
from jax import lax
from jax.experimental import pallas as pl
from jax.experimental.pallas import tpu as pltpu
from jax.experimental.pallas import tpu_sc as plsc

_N_NODES = 100000
_LANES = 16
_NC = 2
_NS = 16
_NW = _NC * _NS
_CHUNK = 3200
_UNROLL = 10
_NPAD = 100352


def _make_sc_histogram(e):
    nchunks = e // _CHUNK
    assert nchunks * _CHUNK == e and _CHUNK % 128 == 0
    assert _CHUNK % (_LANES * _UNROLL) == 0
    nrounds = nchunks // _NW
    nleft = nchunks - nrounds * _NW
    npairs = nrounds // 2
    assert npairs * 2 == nrounds and nleft < _NW

    mesh = plsc.VectorSubcoreMesh(core_axis_name="c", subcore_axis_name="s")

    @functools.partial(
        pl.kernel,
        out_type=jax.ShapeDtypeStruct((_NW, _NPAD), jnp.float32),
        mesh=mesh,
        compiler_params=pltpu.CompilerParams(needs_layout_passes=False),
        scratch_types=[
            pltpu.VMEM((_NPAD,), jnp.float32),
            pltpu.VMEM((2, _CHUNK), jnp.int32),
            pltpu.VMEM((2, _CHUNK), jnp.int32),
            pltpu.SemaphoreType.DMA,
            pltpu.SemaphoreType.DMA,
        ],
    )
    def hist_kernel(src_hbm, out_hbm, hist, ebuf0, ebuf1, sem0, sem1):
        cid = lax.axis_index("c")
        sid = lax.axis_index("s")
        wid = cid * _NS + sid

        ones = jnp.ones((_LANES,), jnp.float32)

        def start(chunk, buf, sem):
            off = pl.multiple_of(chunk * _CHUNK, 128)
            pltpu.async_copy(src_hbm.at[:, pl.ds(off, _CHUNK)], buf, sem)

        def wait(buf, sem):
            pltpu.make_async_copy(src_hbm.at[:, pl.ds(0, _CHUNK)], buf,
                                  sem).wait()

        def scatter(buf):
            @plsc.parallel_loop(0, _CHUNK // _LANES, 1, unroll=_UNROLL)
            def _(j):
                idx = buf[0, pl.ds(j * _LANES, _LANES)]
                plsc.addupdate_scatter(hist, [idx], ones)

        start(wid, ebuf0, sem0)

        @plsc.parallel_loop(0, _NPAD // _LANES, 1, unroll=16)
        def _(i):
            hist[pl.ds(i * _LANES, _LANES)] = jnp.zeros((_LANES,), jnp.float32)

        def pair_body(c, _):
            start(wid + (2 * c + 1) * _NW, ebuf1, sem1)
            wait(ebuf0, sem0)
            scatter(ebuf0)

            @pl.when(c < npairs - 1)
            def _():
                start(wid + (2 * c + 2) * _NW, ebuf0, sem0)

            @pl.when((c == npairs - 1) & (wid < nleft))
            def _():
                start(nrounds * _NW + wid, ebuf0, sem0)

            wait(ebuf1, sem1)
            scatter(ebuf1)
            return 0

        lax.fori_loop(0, npairs, pair_body, 0)

        @pl.when(wid < nleft)
        def _():
            wait(ebuf0, sem0)
            scatter(ebuf0)

        pltpu.sync_copy(hist, out_hbm.at[wid])

    return hist_kernel


_FBLK = 50176


def _combine(nn, partials):
    def fin(nn_ref, p_ref, o_ref):
        i = pl.program_id(0)
        total = jnp.sum(p_ref[...], axis=0, keepdims=True)
        col = lax.broadcasted_iota(jnp.int32, (1, _FBLK), 1) + i * _FBLK
        o_ref[...] = jnp.where(col < nn_ref[0], total, jnp.float32(0.0))

    return pl.pallas_call(
        fin,
        grid=(_NPAD // _FBLK,),
        out_shape=jax.ShapeDtypeStruct((1, _NPAD), jnp.float32),
        in_specs=[
            pl.BlockSpec(memory_space=pltpu.SMEM),
            pl.BlockSpec((_NW, _FBLK), lambda i: (0, i)),
        ],
        out_specs=pl.BlockSpec((1, _FBLK), lambda i: (0, i)),
    )(nn, partials)


def kernel(edge_index, num_nodes):
    e = edge_index.shape[1]
    src = edge_index.astype(jnp.int32)

    partials = _make_sc_histogram(e)(src)
    nn = jnp.asarray(num_nodes, jnp.int32).reshape(1)
    deg = _combine(nn, partials)
    return deg.reshape(-1)[:_N_NODES][:, None]

# --- scband reference (transcript-rebuilt; emitter-appended) ---
"""Pipeline reference for scband-degree-4741643895758 (READ-ONLY COPY).

The authoritative reference and input builder live on the scoring server;
editing this copy changes nothing except your own understanding.
"""

import jax, jax.numpy as jnp
import numpy as np

N_NODES = 100000
N_EDGES = 6400000

def setup_inputs(seed: int = 0) -> dict:
    key = jax.random.key(seed)
    edge_index = jax.random.randint(key, (2, N_EDGES), 0, N_NODES, dtype=jnp.int64) if jax.config.jax_enable_x64 else jax.random.randint(key, (2, N_EDGES), 0, N_NODES, dtype=jnp.int32)
    return {"edge_index": edge_index, "num_nodes": N_NODES}

def reference(edge_index, num_nodes):
    # degree(edge_index[0], num_nodes): count occurrences of each node id
    # among edge source indices; returns float tensor of shape [num_nodes, 1].
    src = edge_index[0]
    deg = jnp.zeros((N_NODES,), dtype=jnp.float32).at[src].add(1.0)
    deg = jnp.where(jnp.arange(N_NODES) < num_nodes, deg, jnp.float32(0.0))
    return deg[:, None]

if __name__ == "__main__":
    import jax
    _d = setup_inputs()
    print(jax.jit(kernel)(*tuple(_d.values())))

</pallas_src>

<mosaic_0001>
#map = affine_map<(d0, d1) -> (0, 0)>
module attributes {stable_mosaic.version = 14 : i64} {
  func.func @hist_kernel(%arg0: i32, %arg1: i32, %arg2: memref<2x6400000xi32, #tpu.memory_space<hbm>>, %arg3: memref<32x100352xf32, #tpu.memory_space<hbm>>, %arg4: memref<100352xf32, #tpu.memory_space<vmem>>, %arg5: memref<2x3200xi32, #tpu.memory_space<vmem>>, %arg6: memref<2x3200xi32, #tpu.memory_space<vmem>>, %arg7: memref<!tpu.dma_semaphore, #tpu.memory_space<semaphore_mem>>, %arg8: memref<!tpu.dma_semaphore, #tpu.memory_space<semaphore_mem>>) attributes {dimension_semantics = [#tpu.dimension_semantics<core_parallel>, #tpu.dimension_semantics<subcore_parallel>], iteration_bounds = array<i64: 2, 16>, scalar_prefetch = 0 : i64, scratch_operands = 5 : i64, tpu.core_type = #tpu.core_type<sc_vector_subcore>, window_params = [{transform_indices = #map}, {transform_indices = #map}]} {
    %mul3A = arith.constant 16 : i32
    %mul3A_0 = arith.muli %arg0, %mul3A : i32
    %add3A = arith.addi %mul3A_0, %arg1 : i32
    %broadcast_in_dim3A = arith.constant 1.000000e+00 : f32
    %broadcast_in_dim3A_1 = vector.broadcast %broadcast_in_dim3A : f32 to vector<16xf32>
    %mul3A_2 = arith.constant 3200 : i32
    %mul3A_3 = arith.muli %add3A, %mul3A_2 : i32
    %multiple_of3A = tpu.assume_multiple %mul3A_3, 128 : i32
    %dma_start3A = arith.constant 0 : i32
    %dma_start3A_4 = tpu.memref_slice %arg2[%dma_start3A, %multiple_of3A] : memref<2x6400000xi32, #tpu.memory_space<hbm>> -> memref<2x3200xi32, #tpu.memory_space<hbm>>
    %dma_start3A_5 = arith.constant 0 : i32
    %dma_start3A_6 = tpu.memref_slice %arg2[%dma_start3A_5, %multiple_of3A] : memref<2x6400000xi32, #tpu.memory_space<hbm>> -> memref<2x3200xi32, #tpu.memory_space<hbm>>
    tpu.enqueue_dma source(%dma_start3A_6 : memref<2x3200xi32, #tpu.memory_space<hbm>>) target(%arg5 : memref<2x3200xi32, #tpu.memory_space<vmem>>) target_semaphore(%arg7 : memref<!tpu.dma_semaphore, #tpu.memory_space<semaphore_mem>>)
    %parallel_loop3A = arith.constant 0 : i32
    %parallel_loop3A_7 = arith.constant 6272 : i32
    %parallel_loop3A_8 = arith.constant 1 : i32
    scf.for %parallel_loop3A_17 = %parallel_loop3A to %parallel_loop3A_7 step %parallel_loop3A_8  : i32 {
      %parallel_loop3A_18 = arith.constant 0.000000e+00 : f32
      %parallel_loop3A_19 = vector.broadcast %parallel_loop3A_18 : f32 to vector<16xf32>
      %parallel_loop3A_20 = arith.constant 16 : i32
      %parallel_loop3A_21 = arith.muli %parallel_loop3A_17, %parallel_loop3A_20 : i32
      %parallel_loop3A_22 = arith.index_cast %parallel_loop3A_21 : i32 to index
      %parallel_loop3A_23 = tpu.vector_load %arg4[%parallel_loop3A_22] {strides = array<i32>} : memref<100352xf32, #tpu.memory_space<vmem>>, vector<16xf32>,
      tpu.vector_store %arg4[%parallel_loop3A_22], %parallel_loop3A_19 {strides = array<i32>} : memref<100352xf32, #tpu.memory_space<vmem>>, vector<16xf32>,
    } {sc.loop_unroll_factor = 16 : i64, sc.parallel_access}
    %scan3A = arith.constant 0 : i32
    %scan3A_9 = arith.constant 0 : i32
    %scan3A_10 = arith.constant 31 : i32
    %scan3A_11 = arith.addi %scan3A_9, %scan3A_10 : i32
    %scan3A_12 = arith.constant 1 : i32
    %scan3A_13 = scf.for %scan3A_17 = %scan3A_9 to %scan3A_11 step %scan3A_12 iter_args(%scan3A_18 = %scan3A) -> (i32)  : i32 {
      %mul3A_19 = arith.constant 2 : i32
      %mul3A_20 = arith.muli %mul3A_19, %scan3A_17 : i32
      %add3A_21 = arith.constant 1 : i32
      %add3A_22 = arith.addi %mul3A_20, %add3A_21 : i32
      %mul3A_23 = arith.constant 32 : i32
      %mul3A_24 = arith.muli %add3A_22, %mul3A_23 : i32
      %add3A_25 = arith.addi %add3A, %mul3A_24 : i32
      %mul3A_26 = arith.constant 3200 : i32
      %mul3A_27 = arith.muli %add3A_25, %mul3A_26 : i32
      %multiple_of3A_28 = tpu.assume_multiple %mul3A_27, 128 : i32
      %dma_start3A_29 = arith.constant 0 : i32
      %dma_start3A_30 = tpu.memref_slice %arg2[%dma_start3A_29, %multiple_of3A_28] : memref<2x6400000xi32, #tpu.memory_space<hbm>> -> memref<2x3200xi32, #tpu.memory_space<hbm>>
      %dma_start3A_31 = arith.constant 0 : i32
      %dma_start3A_32 = tpu.memref_slice %arg2[%dma_start3A_31, %multiple_of3A_28] : memref<2x6400000xi32, #tpu.memory_space<hbm>> -> memref<2x3200xi32, #tpu.memory_space<hbm>>
      tpu.enqueue_dma source(%dma_start3A_32 : memref<2x3200xi32, #tpu.memory_space<hbm>>) target(%arg6 : memref<2x3200xi32, #tpu.memory_space<vmem>>) target_semaphore(%arg8 : memref<!tpu.dma_semaphore, #tpu.memory_space<semaphore_mem>>)
      %dma_wait3A = arith.constant 0 : i32
      %dma_wait3A_33 = arith.constant 0 : i32
      %dma_wait3A_34 = tpu.memref_slice %arg2[%dma_wait3A, %dma_wait3A_33] : memref<2x6400000xi32, #tpu.memory_space<hbm>> -> memref<2x3200xi32, #tpu.memory_space<hbm>>
      %dma_wait3A_35 = arith.constant 0 : i32
      %dma_wait3A_36 = arith.constant 0 : i32
      %dma_wait3A_37 = tpu.memref_slice %arg2[%dma_wait3A_35, %dma_wait3A_36] : memref<2x6400000xi32, #tpu.memory_space<hbm>> -> memref<2x3200xi32, #tpu.memory_space<hbm>>
      tpu.wait_dma2 semaphore(%arg7 : memref<!tpu.dma_semaphore, #tpu.memory_space<semaphore_mem>>) src(%dma_wait3A_37 : memref<2x3200xi32, #tpu.memory_space<hbm>>) dst(%arg5 : memref<2x3200xi32, #tpu.memory_space<vmem>>)
      %parallel_loop3A_38 = arith.constant 0 : i32
      %parallel_loop3A_39 = arith.constant 200 : i32
      %parallel_loop3A_40 = arith.constant 1 : i32
      scf.for %parallel_loop3A_62 = %parallel_loop3A_38 to %parallel_loop3A_39 step %parallel_loop3A_40  : i32 {
        %parallel_loop3A_63 = arith.constant 16 : i32
        %parallel_loop3A_64 = arith.muli %parallel_loop3A_62, %parallel_loop3A_63 : i32
        %parallel_loop3A_65 = arith.constant 0 : i32
        %parallel_loop3A_66 = arith.index_cast %parallel_loop3A_65 : i32 to index
        %parallel_loop3A_67 = arith.index_cast %parallel_loop3A_64 : i32 to index
        %parallel_loop3A_68 = tpu.vector_load %arg5[%parallel_loop3A_66, %parallel_loop3A_67] {strides = array<i32>} : memref<2x3200xi32, #tpu.memory_space<vmem>>, vector<16xi32>,
        tpu.vector_store_idx %arg4[%parallel_loop3A_68], %broadcast_in_dim3A_1 {add = true} : memref<100352xf32, #tpu.memory_space<vmem>>[vector<16xi32>], vector<16xf32>,
      } {sc.loop_unroll_factor = 10 : i64, sc.parallel_access}
      %lt3A_41 = arith.constant 30 : i32
      %lt3A_42 = arith.cmpi slt, %scan3A_17, %lt3A_41 : i32
      %convert_element_type3A_43 = arith.extui %lt3A_42 : i1 to i32
      %cond3A_44 = arith.constant 0 : i32
      %cond3A_45 = arith.cmpi ne, %convert_element_type3A_43, %cond3A_44 : i32
      scf.if %cond3A_45 {
        %mul3A_62 = arith.constant 2 : i32
        %mul3A_63 = arith.muli %mul3A_62, %scan3A_17 : i32
        %add3A_64 = arith.constant 2 : i32
        %add3A_65 = arith.addi %mul3A_63, %add3A_64 : i32
        %mul3A_66 = arith.constant 32 : i32
        %mul3A_67 = arith.muli %add3A_65, %mul3A_66 : i32
        %add3A_68 = arith.addi %add3A, %mul3A_67 : i32
        %mul3A_69 = arith.constant 3200 : i32
        %mul3A_70 = arith.muli %add3A_68, %mul3A_69 : i32
        %multiple_of3A_71 = tpu.assume_multiple %mul3A_70, 128 : i32
        %dma_start3A_72 = arith.constant 0 : i32
        %dma_start3A_73 = tpu.memref_slice %arg2[%dma_start3A_72, %multiple_of3A_71] : memref<2x6400000xi32, #tpu.memory_space<hbm>> -> memref<2x3200xi32, #tpu.memory_space<hbm>>
        %dma_start3A_74 = arith.constant 0 : i32
        %dma_start3A_75 = tpu.memref_slice %arg2[%dma_start3A_74, %multiple_of3A_71] : memref<2x6400000xi32, #tpu.memory_space<hbm>> -> memref<2x3200xi32, #tpu.memory_space<hbm>>
        tpu.enqueue_dma source(%dma_start3A_75 : memref<2x3200xi32, #tpu.memory_space<hbm>>) target(%arg5 : memref<2x3200xi32, #tpu.memory_space<vmem>>) target_semaphore(%arg7 : memref<!tpu.dma_semaphore, #tpu.memory_space<semaphore_mem>>)
      } else {
      }
      %eq3A = arith.constant 30 : i32
      %eq3A_46 = arith.cmpi eq, %scan3A_17, %eq3A : i32
      %lt3A_47 = arith.constant 16 : i32
      %lt3A_48 = arith.cmpi slt, %add3A, %lt3A_47 : i32
      %and3A = arith.andi %eq3A_46, %lt3A_48 : i1
      %convert_element_type3A_49 = arith.extui %and3A : i1 to i32
      %cond3A_50 = arith.constant 0 : i32
      %cond3A_51 = arith.cmpi ne, %convert_element_type3A_49, %cond3A_50 : i32
      scf.if %cond3A_51 {
        %add3A_62 = arith.constant 1984 : i32
        %add3A_63 = arith.addi %add3A_62, %add3A : i32
        %mul3A_64 = arith.constant 3200 : i32
        %mul3A_65 = arith.muli %add3A_63, %mul3A_64 : i32
        %multiple_of3A_66 = tpu.assume_multiple %mul3A_65, 128 : i32
        %dma_start3A_67 = arith.constant 0 : i32
        %dma_start3A_68 = tpu.memref_slice %arg2[%dma_start3A_67, %multiple_of3A_66] : memref<2x6400000xi32, #tpu.memory_space<hbm>> -> memref<2x3200xi32, #tpu.memory_space<hbm>>
        %dma_start3A_69 = arith.constant 0 : i32
        %dma_start3A_70 = tpu.memref_slice %arg2[%dma_start3A_69, %multiple_of3A_66] : memref<2x6400000xi32, #tpu.memory_space<hbm>> -> memref<2x3200xi32, #tpu.memory_space<hbm>>
        tpu.enqueue_dma source(%dma_start3A_70 : memref<2x3200xi32, #tpu.memory_space<hbm>>) target(%arg5 : memref<2x3200xi32, #tpu.memory_space<vmem>>) target_semaphore(%arg7 : memref<!tpu.dma_semaphore, #tpu.memory_space<semaphore_mem>>)
      } else {
      }
      %dma_wait3A_52 = arith.constant 0 : i32
      %dma_wait3A_53 = arith.constant 0 : i32
      %dma_wait3A_54 = tpu.memref_slice %arg2[%dma_wait3A_52, %dma_wait3A_53] : memref<2x6400000xi32, #tpu.memory_space<hbm>> -> memref<2x3200xi32, #tpu.memory_space<hbm>>
      %dma_wait3A_55 = arith.constant 0 : i32
      %dma_wait3A_56 = arith.constant 0 : i32
      %dma_wait3A_57 = tpu.memref_slice %arg2[%dma_wait3A_55, %dma_wait3A_56] : memref<2x6400000xi32, #tpu.memory_space<hbm>> -> memref<2x3200xi32, #tpu.memory_space<hbm>>
      tpu.wait_dma2 semaphore(%arg8 : memref<!tpu.dma_semaphore, #tpu.memory_space<semaphore_mem>>) src(%dma_wait3A_57 : memref<2x3200xi32, #tpu.memory_space<hbm>>) dst(%arg6 : memref<2x3200xi32, #tpu.memory_space<vmem>>)
      %parallel_loop3A_58 = arith.constant 0 : i32
      %parallel_loop3A_59 = arith.constant 200 : i32
      %parallel_loop3A_60 = arith.constant 1 : i32
      scf.for %parallel_loop3A_62 = %parallel_loop3A_58 to %parallel_loop3A_59 step %parallel_loop3A_60  : i32 {
        %parallel_loop3A_63 = arith.constant 16 : i32
        %parallel_loop3A_64 = arith.muli %parallel_loop3A_62, %parallel_loop3A_63 : i32
        %parallel_loop3A_65 = arith.constant 0 : i32
        %parallel_loop3A_66 = arith.index_cast %parallel_loop3A_65 : i32 to index
        %parallel_loop3A_67 = arith.index_cast %parallel_loop3A_64 : i32 to index
        %parallel_loop3A_68 = tpu.vector_load %arg6[%parallel_loop3A_66, %parallel_loop3A_67] {strides = array<i32>} : memref<2x3200xi32, #tpu.memory_space<vmem>>, vector<16xi32>,
        tpu.vector_store_idx %arg4[%parallel_loop3A_68], %broadcast_in_dim3A_1 {add = true} : memref<100352xf32, #tpu.memory_space<vmem>>[vector<16xi32>], vector<16xf32>,
      } {sc.loop_unroll_factor = 10 : i64, sc.parallel_access}
      %scan3A_61 = arith.constant 0 : i32
      scf.yield %scan3A_61 : i32
    }
    %scan3A_14 = arith.constant 31 : i32
    %lt3A = arith.constant 16 : i32
    %lt3A_15 = arith.cmpi slt, %add3A, %lt3A : i32
    %convert_element_type3A = arith.extui %lt3A_15 : i1 to i32
    %cond3A = arith.constant 0 : i32
    %cond3A_16 = arith.cmpi ne, %convert_element_type3A, %cond3A : i32
    scf.if %cond3A_16 {
      %dma_wait3A = arith.constant 0 : i32
      %dma_wait3A_17 = arith.constant 0 : i32
      %dma_wait3A_18 = tpu.memref_slice %arg2[%dma_wait3A, %dma_wait3A_17] : memref<2x6400000xi32, #tpu.memory_space<hbm>> -> memref<2x3200xi32, #tpu.memory_space<hbm>>
      %dma_wait3A_19 = arith.constant 0 : i32
      %dma_wait3A_20 = arith.constant 0 : i32
      %dma_wait3A_21 = tpu.memref_slice %arg2[%dma_wait3A_19, %dma_wait3A_20] : memref<2x6400000xi32, #tpu.memory_space<hbm>> -> memref<2x3200xi32, #tpu.memory_space<hbm>>
      tpu.wait_dma2 semaphore(%arg7 : memref<!tpu.dma_semaphore, #tpu.memory_space<semaphore_mem>>) src(%dma_wait3A_21 : memref<2x3200xi32, #tpu.memory_space<hbm>>) dst(%arg5 : memref<2x3200xi32, #tpu.memory_space<vmem>>)
      %parallel_loop3A_22 = arith.constant 0 : i32
      %parallel_loop3A_23 = arith.constant 200 : i32
      %parallel_loop3A_24 = arith.constant 1 : i32
      scf.for %parallel_loop3A_25 = %parallel_loop3A_22 to %parallel_loop3A_23 step %parallel_loop3A_24  : i32 {
        %parallel_loop3A_26 = arith.constant 16 : i32
        %parallel_loop3A_27 = arith.muli %parallel_loop3A_25, %parallel_loop3A_26 : i32
        %parallel_loop3A_28 = arith.constant 0 : i32
        %parallel_loop3A_29 = arith.index_cast %parallel_loop3A_28 : i32 to index
        %parallel_loop3A_30 = arith.index_cast %parallel_loop3A_27 : i32 to index
        %parallel_loop3A_31 = tpu.vector_load %arg5[%parallel_loop3A_29, %parallel_loop3A_30] {strides = array<i32>} : memref<2x3200xi32, #tpu.memory_space<vmem>>, vector<16xi32>,
        tpu.vector_store_idx %arg4[%parallel_loop3A_31], %broadcast_in_dim3A_1 {add = true} : memref<100352xf32, #tpu.memory_space<vmem>>[vector<16xi32>], vector<16xf32>,
      } {sc.loop_unroll_factor = 10 : i64, sc.parallel_access}
    } else {
    }
    "tpu.region"() ({
      %run_scoped3A = tpu.sem_alloc : memref<!tpu.dma_semaphore, #tpu.memory_space<semaphore_mem>>
      %dma_start3A_17 = arith.constant 0 : i32
      %dma_start3A_18 = tpu.memref_slice %arg3[%add3A, %dma_start3A_17] : memref<32x100352xf32, #tpu.memory_space<hbm>> -> memref<1x100352xf32, #tpu.memory_space<hbm>>
      %dma_start3A_19 = tpu.memref_squeeze %dma_start3A_18 : memref<1x100352xf32, #tpu.memory_space<hbm>> -> memref<100352xf32, #tpu.memory_space<hbm>>
      %dma_start3A_20 = arith.constant 0 : i32
      %dma_start3A_21 = tpu.memref_slice %arg3[%add3A, %dma_start3A_20] : memref<32x100352xf32, #tpu.memory_space<hbm>> -> memref<1x100352xf32, #tpu.memory_space<hbm>>
      %dma_start3A_22 = tpu.memref_squeeze %dma_start3A_21 : memref<1x100352xf32, #tpu.memory_space<hbm>> -> memref<100352xf32, #tpu.memory_space<hbm>>
      tpu.enqueue_dma source(%arg4 : memref<100352xf32, #tpu.memory_space<vmem>>) target(%dma_start3A_22 : memref<100352xf32, #tpu.memory_space<hbm>>) target_semaphore(%run_scoped3A : memref<!tpu.dma_semaphore, #tpu.memory_space<semaphore_mem>>)
      %dma_wait3A = arith.constant 0 : i32
      %dma_wait3A_23 = tpu.memref_slice %arg3[%add3A, %dma_wait3A] : memref<32x100352xf32, #tpu.memory_space<hbm>> -> memref<1x100352xf32, #tpu.memory_space<hbm>>
      %dma_wait3A_24 = tpu.memref_squeeze %dma_wait3A_23 : memref<1x100352xf32, #tpu.memory_space<hbm>> -> memref<100352xf32, #tpu.memory_space<hbm>>
      %dma_wait3A_25 = arith.constant 0 : i32
      %dma_wait3A_26 = tpu.memref_slice %arg3[%add3A, %dma_wait3A_25] : memref<32x100352xf32, #tpu.memory_space<hbm>> -> memref<1x100352xf32, #tpu.memory_space<hbm>>
      %dma_wait3A_27 = tpu.memref_squeeze %dma_wait3A_26 : memref<1x100352xf32, #tpu.memory_space<hbm>> -> memref<100352xf32, #tpu.memory_space<hbm>>
      tpu.wait_dma2 semaphore(%run_scoped3A : memref<!tpu.dma_semaphore, #tpu.memory_space<semaphore_mem>>) src(%arg4 : memref<100352xf32, #tpu.memory_space<vmem>>) dst(%dma_wait3A_27 : memref<100352xf32, #tpu.memory_space<hbm>>)
      tpu.yield
    }) : () -> ()
    return
  }
}

module attributes {stable_mosaic.version = 14 : i64} {
  func.func @fin(%arg0: i32, %arg1: memref<1xi32, #tpu.memory_space<smem>>, %arg2: memref<32x50176xf32, #tpu.memory_space<vmem>>, %arg3: memref<1x50176xf32, #tpu.memory_space<vmem>>) attributes {dimension_semantics = [#tpu.dimension_semantics<arbitrary>], iteration_bounds = array<i64: 2>, scalar_prefetch = 0 : i64, scratch_operands = 0 : i64, tpu.core_type = #tpu.core_type<tc>, window_params = [{transform_indices = @transform_0, window_bounds = array<i64: 1>}, {transform_indices = @transform_1, window_bounds = array<i64: 32, 50176>}, {transform_indices = @transform_2, window_bounds = array<i64: 1, 50176>}]} {
    %get3A = arith.constant 0 : index
    %get3A_0 = arith.constant 0 : index
    %get3A_1 = vector.load %arg2[%get3A, %get3A_0] : memref<32x50176xf32, #tpu.memory_space<vmem>>, vector<32x50176xf32>
    %reduce_sum3A = arith.constant dense<0.000000e+00> : vector<50176xf32>
    %reduce_sum3A_2 = vector.multi_reduction <add>, %get3A_1, %reduce_sum3A [0] : vector<32x50176xf32> to vector<50176xf32>
    %broadcast_in_dim3A = vector.shape_cast %reduce_sum3A_2 : vector<50176xf32> to vector<1x50176xf32>
    %iota3A = tpu.iota {dimensions = array<i32: 1>} : vector<1x50176xi32>
    %mul3A = arith.constant 50176 : i32
    %mul3A_3 = arith.muli %arg0, %mul3A : i32
    %add3A = vector.broadcast %mul3A_3 : i32 to vector<1x50176xi32>
    %add3A_4 = arith.addi %iota3A, %add3A : vector<1x50176xi32>
    %get3A_5 = arith.constant 0 : index
    %get3A_6 = memref.load %arg1[%get3A_5] : memref<1xi32, #tpu.memory_space<smem>>
    %lt3A = vector.broadcast %get3A_6 : i32 to vector<1x50176xi32>
    %lt3A_7 = arith.cmpi slt, %add3A_4, %lt3A : vector<1x50176xi32>
    %jit3A = arith.constant 0.000000e+00 : f32
    %broadcast_in_dim3A_8 = vector.broadcast %jit3A : f32 to vector<1x50176xf32>
    %select_n3A = arith.select %lt3A_7, %broadcast_in_dim3A, %broadcast_in_dim3A_8 : vector<1x50176xi1>, vector<1x50176xf32>
    %swap3A = arith.constant 0 : index
    %swap3A_9 = arith.constant 0 : index
    %swap3A_10 = vector.load %arg3[%swap3A, %swap3A_9] : memref<1x50176xf32, #tpu.memory_space<vmem>>, vector<1x50176xf32>
    tpu.vector_store %arg3[%swap3A, %swap3A_9], %select_n3A {strides = array<i32>} : memref<1x50176xf32, #tpu.memory_space<vmem>>, vector<1x50176xf32>,
    return
  }
  func.func @transform_0(%arg0: i32) -> i32 {
    %c0_i32 = arith.constant 0 : i32
    %c0_i32_0 = arith.constant 0 : i32
    return %c0_i32 : i32
  }
  func.func @transform_1(%arg0: i32) -> (i32, i32) {
    %c0_i32 = arith.constant 0 : i32
    %c0_i32_0 = arith.constant 0 : i32
    return %c0_i32, %arg0 : i32, i32
  }
  func.func @transform_2(%arg0: i32) -> (i32, i32) {
    %c0_i32 = arith.constant 0 : i32
    %c0_i32_0 = arith.constant 0 : i32
    return %c0_i32, %arg0 : i32, i32
  }
}

</mosaic_0001>

<sc_bundles>
// kernel: kernel.4.cloned.1.call-start
scs
__scs_entry_jumppad:
0x0: {  	(pc) =	sbr.rel $0x88, $3  }
0x1: {  	(tag) =	ssettag $0x0;
	lr =	simm.s32 $0x1  }
0x2: {  	[smem:$0x3F9F] =	sst lr;
	_ =	strace $0xD0000000  }
0x3: {  	_ = 	snop  }
0x4: {  	_ = 	snop  }
0x5: {  	_ = 	snop  }
0x6: {  	_ = 	snop  }
0x7: {  	_ = 	snop  }
__scs_overlays_trampoline_lowered:
0x8: {  	[smem:$0x3FAE] =	sst s0  }
0x9: {  	[smem:$0x3FAF] =	sst s1  }
0xa: {  	[smem:$0x3FB0] =	sst s2  }
0xb: {  	[smem:$0x3FB1] =	sst s3  }
0xc: {  	[smem:$0x3FB2] =	sst s4  }
0xd: {  	[smem:$0x3FB3] =	sst s5  }
0xe: {  	[smem:$0x3FB4] =	sst s6  }
0xf: {  	[smem:$0x3FB5] =	sst s7  }
0x10: {  	[smem:$0x3FB6] =	sst s8  }
0x11: {  	[smem:$0x3FB7] =	sst s9;
	s0 =	simm.s32 @!p0 $0x0  }
0x12: {  	s1 =	sld [smem:$0x3F9D];
	s0 =	simm.s32 @p0 $0x1  }
0x13: {  	[smem:$0x3FB8] =	sst s0;
	s0 =	simm.s32 @!p1 $0x0  }
0x14: {  	s2 =	sld [smem:$0x3F9C];
	s0 =	simm.s32 @p1 $0x1  }
0x15: {  	[smem:$0x3FB9] =	sst s0;
	s0 =	simm.s32 @!p2 $0x0  }
0x16: {  	s3 =	sld [smem:$0x3FDB];
	s0 =	simm.s32 @p2 $0x1  }
0x17: {  	s4 =	simm.s32 $0x1BF5;
	[smem:$0x3FBB] =	sst s0  }
0x18: {  	s0 =	sld [smem:$0x3F9E];
	_ =	swait.ge [sflag:s4], $0x0  }
0x19: {  	s7 =	sld [smem:$0x3F9F]  }
0x1a: {  	s8 =	sadd.s32 $0xFFFFE003, lr  }
0x1b: {  	s9 =	sadd.s32 $0xFFFFFEF7, lr;
	s5 =	simm.s32 $0xFFFFFFFF;
	p2 =	slt.u32 s8, $0xFFFFF086  }
0x1c: {  	p1 =	slt.u32 s9, $0xF7A;
	s5 =	simm.s32 @!p2 $0x0  }
0x1d: {  	s5 =	simm.s32 @p1 $0x1;
	p0 =	seq.s32 s7, s2  }
0x1e: {  	s7 =	smul.u32 @!p0 $0xF7A, s2;
	p2 =	seq.s32 @!p0 s5, $0x0  }
0x1f: {  	s9 =	smul.u32 $0xF7A, s1;
	s8 =	simm.s32 @!p0 $0x1BF5;
	p2 =	por !p2, p0  }
0x20: {  	[sflag:s8] =	ssyncset.s32 @!p0 $0xFFFFF086;
	s6 =	sadd.s32 @!p0 s3, s7;
	s7 =	simm.s32 @!p0 $0x108  }
0x21: {  	s3 =	sadd.s32 s3, s9;
	s6 =	sadd.s32 @!p0 $0x88, s6;
	s7 =	simm.s32 @p2 $0x1082  }
0x22: {  	[simem:s7], [sflag:s8] =	dma.local @!p0 [hbm:s6], $0xF7A  }
0x23: {  	s9 =	sor.u32 $0xD0000000, s2;
	s6 =	simm.s32 $0x108;
	_ =	swait.ge @!p0 [sflag:s8], $0x0  }
0x24: {  	s3 =	sadd.s32 $0x88, s3;
	s6 =	simm.s32 @!p1 $0x1082;
	[sflag:s4] =	ssyncset.s32 $0xFFFFF086  }
0x25: {  	[simem:s6], [sflag:s4] =	dma.local [hbm:s3], $0xF7A  }
0x26: {  	[smem:$0x3F9F] =	sst s1;
	(tag) =	ssettag s2;
	_ =	strace s9  }
0x27: {  	s1 =	sld [smem:$0x3FAF]  }
0x28: {  	s2 =	sld [smem:$0x3FB0]  }
0x29: {  	s4 =	sld [smem:$0x3FB2]  }
0x2a: {  	p0 =	seq.s32 s5, $0x0;
	s5 =	sld [smem:$0x3FB3]  }
0x2b: {  	s6 =	sld [smem:$0x3FB4]  }
0x2c: {  	s7 =	sld [smem:$0x3FB5]  }
0x2d: {  	s3 =	simm.s32 $0x108;
	s8 =	sld [smem:$0x3FB6]  }
0x2e: {  	s3 =	simm.s32 @!p0 $0x1082;
	s9 =	sld [smem:$0x3FB7]  }
0x2f: {  	lr =	sadd.s32 s0, s3;
	s0 =	sld [smem:$0x3FAE]  }
0x30: {  	s3 =	sld [smem:$0x3FB1]  }
0x31: {  	[smem:$0x3FBA] =	sst s10  }
0x32: {  	s10 =	sld [smem:$0x3FB8];
	_ =	sdelay $0x3  }
0x33: {  	p0 =	seq.s32 s10, $0x1;
	s10 =	sld [smem:$0x3FBA];
	_ =	sdelay $0x3  }
0x34: {  	[smem:$0x3FBA] =	sst s10  }
0x35: {  	s10 =	sld [smem:$0x3FB9];
	_ =	sdelay $0x3  }
0x36: {  	p1 =	seq.s32 s10, $0x1;
	s10 =	sld [smem:$0x3FBA];
	_ =	sdelay $0x3  }
0x37: {  	[smem:$0x3FBA] =	sst s10  }
0x38: {  	s10 =	sld [smem:$0x3FBB]  }
0x39: {  	_ = 	snop;
	(pc) =	sbr.ind lr, $3  }
0x3a: {  	_ = 	snop  }
0x3b: {  	_ = 	snop  }
0x3c: {  	p2 =	seq.s32 s10, $0x1;
	s10 =	sld [smem:$0x3FBA]  }
0x3d: {  	_ =	shalt  }
0x3e: {  	_ =	shalt  }
0x3f: {  	_ =	shalt  }
0x40: {  	_ =	shalt  }
0x41: {  	_ =	shalt  }
0x42: {  	_ =	shalt  }
0x43: {  	_ =	shalt  }
0x44: {  	_ =	shalt  }
0x45: {  	_ =	shalt  }
0x46: {  	_ =	shalt  }
0x47: {  	_ =	shalt  }
0x48: {  	_ =	shalt  }
0x49: {  	_ =	shalt  }
0x4a: {  	_ =	shalt  }
0x4b: {  	_ =	shalt  }
0x4c: {  	_ =	shalt  }
0x4d: {  	_ =	shalt  }
0x4e: {  	_ =	shalt  }
0x4f: {  	_ =	shalt  }
0x50: {  	_ =	shalt  }
0x51: {  	_ =	shalt  }
0x52: {  	_ =	shalt  }
0x53: {  	_ =	shalt  }
0x54: {  	_ =	shalt  }
0x55: {  	_ =	shalt  }
0x56: {  	_ =	shalt  }
0x57: {  	_ =	shalt  }
0x58: {  	_ =	shalt  }
0x59: {  	_ =	shalt  }
0x5a: {  	_ =	shalt  }
0x5b: {  	_ =	shalt  }
0x5c: {  	_ =	shalt  }
0x5d: {  	_ =	shalt  }
0x5e: {  	_ =	shalt  }
0x5f: {  	_ =	shalt  }
0x60: {  	_ =	shalt  }
0x61: {  	_ =	shalt  }
0x62: {  	_ =	shalt  }
0x63: {  	_ =	shalt  }
0x64: {  	_ =	shalt  }
0x65: {  	_ =	shalt  }
0x66: {  	_ =	shalt  }
0x67: {  	_ =	shalt  }
0x68: {  	_ =	shalt  }
0x69: {  	_ =	shalt  }
0x6a: {  	_ =	shalt  }
0x6b: {  	_ =	shalt  }
0x6c: {  	_ =	shalt  }
0x6d: {  	_ =	shalt  }
0x6e: {  	_ =	shalt  }
0x6f: {  	_ =	shalt  }
0x70: {  	_ =	shalt  }
0x71: {  	_ =	shalt  }
0x72: {  	_ =	shalt  }
0x73: {  	_ =	shalt  }
0x74: {  	_ =	shalt  }
0x75: {  	_ =	shalt  }
0x76: {  	_ =	shalt  }
0x77: {  	_ =	shalt  }
0x78: {  	_ =	shalt  }
0x79: {  	_ =	shalt  }
0x7a: {  	_ =	shalt  }
0x7b: {  	_ =	shalt  }
0x7c: {  	_ =	shalt  }
0x7d: {  	_ =	shalt  }
0x7e: {  	_ =	shalt  }
0x7f: {  	_ =	shalt  }
0x80: {  	_ =	shalt  }
0x81: {  	_ =	shalt  }
0x82: {  	_ =	shalt  }
0x83: {  	_ =	shalt  }
0x84: {  	_ =	shalt  }
0x85: {  	_ =	shalt  }
0x86: {  	_ =	shalt  }
0x87: {  	_ =	shalt  }
.Lfunc_end0:
.L_simem_size_0:
called_computation_lowered:
.L_overlay_start_0:
0x88: {  	s2 =	sld [smem:$0x3FD9]  }
0x89: {  	s3 =	sld [smem:$0x3FFE];
	_ =	sdelay $0x1  }
0x8a: {  	s1 =	srdreg.scid  }
0x8b: {  	s0 =	sand.u32 $0x1, s1  }
0x8c: {  	s17 =	sshll.u32 s0, $0xA;
	s2 =	sadd.s32 s3, s2  }
0x8d: {  	s2 =	sadd.s32 s2, s17  }
0x8e: {  	[smem:$0x3FC6] =	sst s2  }
0x8f: {  	_ = 	snop  }
0x90: {  	s2 =	sld [smem:$0x3FC9];
	(tm) =	ssettm $0x1  }
0x91: {  	s18 =	sld [smem:$0x3FFB];
	_ =	sdelay $0x3  }
0x92: {  	_ =	strace s18  }
0x93: {  	s3 =	sld [smem:$0x3FFC];
	_ =	sdelay $0x3  }
0x94: {  	_ =	strace s3  }
0x95: {  	s3 =	sld [smem:$0x3FFD];
	_ =	sdelay $0x3  }
0x96: {  	_ =	strace s3  }
0x97: {  	_ =	strace $0x8FFFFFFF  }
0x98: {  	s19 =	sld [smem:$0x3FDB];
	_ =	sdelay $0x1  }
0x99: {  	s4 =	simm.s32 $_scs_section_size  }
0x9a: {  	s5 =	simm.s32 $_size__tile_overlayer_lowered;
	s6 =	simm.s32 $_tile_overlayer_lowered  }
0x9b: {  	s22 =	simm.s32 $0x1BFF;
	s21 =	sshll.u32 s6, $0x1;
	s3 =	sadd.s32 s4, s19  }
0x9c: {  	s7 =	simm.s32 $0x0;
	s20 =	sshll.u32 s5, $0x1;
	s5 =	sadd.s32 s21, s3  }
0x9d: {  	[timem:s7], [sflag:s22] =	dma.local [hbm:s5], s20  }
0x9e: {  	_ =	swait.ge [sflag:s22], s20  }
0x9f: {  	s4 =	ssub.s32 $0x0, s20;
	[sflag:s22] =	ssyncset.done $0x0  }
0xa0: {  	[sflag:s22] =	ssyncadd.s32 s4;
	_ =	sdelay $0x1  }
0xa1: {  	s23 =	simm.s32 $0x1B8B  }
0xa2: {  	_ =	swait.ge [sflag:s23], $0x1  }
0xa3: {  	[sflag:s23] =	ssyncset.done $0x0  }
0xa4: {  	s25 =	simm.s32 $0x1B8E;
	s24 =	sld [smem:$0x3FFE];
	[sflag:s23] =	ssyncadd.s32 $0xFFFFFFFF  }
0xa5: {  	s26 =	simm.s32 $execute0_lowered;
	[smem:$0x3FD2] =	sst s25  }
0xa6: {  	s5 =	sshll.u32 s26, $0x1;
	_ =	strace $0x80000046;
	[dreg:$0x1] =	wrdreg $0xFFFFFFFF  }
0xa7: {  	s28 =	simm.s32 $_size_execute0_lowered;
	s3 =	sadd.s32 s3, s5;
	[dreg:$0x0] =	wrdreg $0x0  }
0xa8: {  	s5 =	sshll.u32 s28, $0x1;
	[dreg:$0x2] =	wrdreg s3  }
0xa9: {  	[dreg:$0x3] =	wrdreg s5  }
0xaa: {  	[dreg:$0x4] =	wrdreg $0xC0  }
0xab: {  	_ =	task [dreg:s7], $0x5FFFF  }
0xac: {  	[dreg:$0x1] =	wrdreg $0xFFFFFFFF  }
0xad: {  	[dreg:$0x0] =	wrdreg $0x60  }
0xae: {  	[dreg:$0x2] =	wrdreg s2  }
0xaf: {  	[dreg:$0x3] =	wrdreg s24  }
0xb0: {  	[dreg:$0x4] =	wrdreg $0x9  }
0xb1: {  	_ =	task.clear_ibuf [dreg:s7], $0x5FFFF;
	_ =	strace $0x90000046  }
0xb2: {  	s29 =	simm.s32 $0x9;
	_ =	strace $0x80000048  }
0xb3: {  	_ =	swait.ge [sflag:s29], $0x1  }
0xb4: {  	[sflag:s29] =	ssyncadd.s32 $0xFFFFFFFF  }
0xb5: {  	_ =	strace $0x90000048  }
0xb6: {  	_ =	sfence  }
0xb7: {  	s30 =	sld [smem:$0x0];
	_ =	sdelay $0x2  }
0xb8: {  	s31 =	sshll.u32 s1, $0xD;
	s1 =	sshrl.u32 s1, $0x2  }
0xb9: {  	s3 =	sand.u32 $0x4000, s31;
	s1 =	sadd.s32 s1, s30  }
0xba: {  	s0 =	sor.u32 s3, s0;
	s1 =	sshll.u32 s1, $0x11  }
0xbb: {  	s0 =	sor.u32 s1, s0  }
0xbc: {  	s0 =	sadd.s32 $0x8F2B, s0  }
0xbd: {  	[sflag:s0] =	ssyncadd.remote.s32 $0x1  }
0xbe: {  	_ =	sfence.sel $0xFFFF  }
0xbf: {  	[dreg:$0x0] =	wrdreg $0xFFFFFFFF;
	(pc) =	sbr.abs _section_cstart, $3  }
0xc0: {  	[dreg:$0x1] =	wrdreg $0xFFFFFFFF  }
0xc1: {  	_ =	task.clear_ibuf [dreg:s7], $0x2FFFF;
	_ =	strace $0x9FFFFFFF  }
0xc2: {  	(tm) =	ssettm $0x7FFFFFFF  }
0xc3: {  	_ =	shalt  }
tec
execute0_lowered:
.L_overlay_start_1:
0x0: {  	(tag) =	ssettag $0x1  }
0x1: {  	s0 =	srdreg.scid;
	s2 =	rddreg [dreg:$0x0]  }
0x2: {  	s25 =	stileid.u32;
	s5 =	rddreg [dreg:$0x1]  }
0x3: {  	s4 =	simm.s32 $0x0;
	s12 =	simm.s32 $0x1A100;
	s13 =	simm.s32 $0x1  }
0x4: {  	s15 =	simm.s32 $0x80;
	s18 =	simm.s32 $0x0;
	s14 =	sand.u32 $0x1, s0  }
0x5: {  	[smem:$0x7FF] =	sst s4;
	s7 =	sshll.u32 s25, $0x7;
	s1 =	sshll.u32 s14, $0x4  }
0x6: {  	s8 =	smul.u32 $0x1900, s25;
	_ =	strace $0x80000047;
	s3 =	sor.u32 s25, s1  }
0x7: {  	s7 =	sand.u32 $0x380, s7;
	s26 =	ssub.s32 $0x2, s14;
	s6 =	sshrl.u32 s3, $0x3  }
0x8: {  	p0 =	sne.s32 s14, $0x0;
	s14 =	simm.s32 $0x2;
	s6 =	smul.u32 $0xC4000, s6  }
0x9: {  	s9 =	sshrl.u32 s26, $0x1;
	s28 =	sshrl.u32 s8, $0x3;
	s10 =	smul.u32 $0x320, s3  }
.Ltmp0:
0xa: {  	s9 =	ssub.s32 s26, s9;
	s6 =	sor.u32 s7, s6;
	(pc) =	sbr.rel .LBB2_1-.Ltmp0, $4  }
0xb: {  	s31 =	smax.u32 s9, $0x1;
	s29 =	sadd.s32 s2, s10;
	s6 =	sshrl.u32 s6, $0x3  }
0xc: {  	[dreg:$0x5] =	wrdreg s31;
	s10 =	sadd.s32 $0x6400, s2;
	s11 =	sadd.s32 s6, s5  }
0xd: {  	[dreg:$0x3] =	wrdreg s29;
	s7 =	sadd.s32 $0x183800, s28;
	s30 =	sadd.s32 $0x600, s11  }
0xe: {  	v0 =	vimm.f32 $0.0e+00;
	v1 =	vimm.f32 $1.000000000e+00;
	s6 =	sor.u32 $0x40, s3;
	s11 =	simm.s32 $0x18800;
	[dreg:$0x4] =	wrdreg s30  }
.LBB2_17:
0xf: {  	s0 =	rddreg [dreg:$0x4];
	s1 =	simm.s32 $0x400;
	s30 =	simm.s32 $0x3  }
0x10: {  	[hbm4b:s0+s15] =	stream.strided.scatter [tilespmem:s4], [sflag:$0x3], $0x18800, s1, s15, $0x38;
	[tilespmem:$0x1BA00] =	vst v63  }
0x11: {  	_ =	swait.ge [sflag:s30], $0x18800  }
0x12: {  	s18 =	sadd.s32 $0x1, s18;
	s31 =	rddreg [dreg:$0x5]  }
0x13: {  	p1 =	sne.s32 s18, s31  }
.Ltmp1:
0x14: {  	_ = 	snop;
	(pc) =	sbr.rel @!p1 .LBB2_18-.Ltmp1, $3  }
0x15: {  	_ =	sdelay $0x1  }
0x16: {  	[sflag:s30] =	ssyncset.done $0x0  }
0x17: {  	[sflag:s30] =	ssyncadd.s32 $0xFFFE7800  }
.LBB2_1:
0x18: {  	s0 =	rddreg [dreg:$0x3]  }
0x19: {  	[tilespmem:s11], [sflag:$0x1] =	stream.linear.gather [hbm4b:s0+s4], $0x1900, $0x38;
	[tilespmem:$0x1BA00] =	vst v63  }
0x1a: {  	[tilespmem:s15+$0xFFFFFF80] =	vst v0  }
0x1b: {  	[tilespmem:s15+$0x70] =	vst v0  }
0x1c: {  	[tilespmem:s15+$0x60] =	vst v0  }
0x1d: {  	[tilespmem:s15+$0x50] =	vst v0  }
0x1e: {  	[tilespmem:s15+$0x40] =	vst v0  }
0x1f: {  	[tilespmem:s15+$0x30] =	vst v0  }
0x20: {  	[tilespmem:s15+$0x20] =	vst v0  }
0x21: {  	[tilespmem:s15+$0x10] =	vst v0  }
0x22: {  	[tilespmem:s15+$0x0] =	vst v0  }
0x23: {  	[tilespmem:s15+$0xFFFFFFF0] =	vst v0  }
0x24: {  	[tilespmem:s15+$0xFFFFFFE0] =	vst v0  }
0x25: {  	[tilespmem:s15+$0xFFFFFFD0] =	vst v0  }
0x26: {  	[tilespmem:s15+$0xFFFFFFC0] =	vst v0  }
0x27: {  	[tilespmem:s15+$0xFFFFFFB0] =	vst v0  }
0x28: {  	s19 =	simm.s32 $0x0;
	s20 =	simm.s32 $0x80;
	[tilespmem:s15+$0xFFFFFFA0] =	vst v0  }
.LBB2_2:
0x29: {  	s19 =	sadd.s32 $0x10, s19;
	[tilespmem:s20+$0xFFFFFF90] =	vst v0;
	s20 =	sadd.s32 $0x100, s20  }
0x2a: {  	[tilespmem:s20+$0xFFFFFF80] =	vst v0;
	p1 =	slt.u32 s19, $0x1870  }
0x2b: {  	[tilespmem:s20+$0x70] =	vst v0  }
0x2c: {  	[tilespmem:s20+$0x60] =	vst v0  }
0x2d: {  	[tilespmem:s20+$0x50] =	vst v0  }
0x2e: {  	[tilespmem:s20+$0x40] =	vst v0  }
0x2f: {  	[tilespmem:s20+$0x30] =	vst v0  }
0x30: {  	[tilespmem:s20+$0x20] =	vst v0  }
0x31: {  	[tilespmem:s20+$0x10] =	vst v0  }
0x32: {  	[tilespmem:s20+$0x0] =	vst v0  }
0x33: {  	[tilespmem:s20+$0xFFFFFFF0] =	vst v0  }
.Ltmp2:
0x34: {  	[tilespmem:s20+$0xFFFFFFE0] =	vst v0;
	(pc) =	sbr.rel @p1 .LBB2_2-.Ltmp2, $4  }
0x35: {  	[tilespmem:s20+$0xFFFFFFD0] =	vst v0  }
0x36: {  	[tilespmem:s20+$0xFFFFFFC0] =	vst v0  }
0x37: {  	[tilespmem:s20+$0xFFFFFFB0] =	vst v0  }
0x38: {  	[tilespmem:s20+$0xFFFFFFA0] =	vst v0  }
0x39: {  	[tilespmem:s20+$0xFFFFFF90] =	vst v0;
	s19 =	simm.s32 $0x0;
	s20 =	simm.s32 $0x0  }
.LBB2_4:
0x3a: {  	s21 =	sshll.u32 s20, $0x6  }
0x3b: {  	s22 =	sor.u32 s3, s21  }
0x3c: {  	s22 =	smul.u32 $0x320, s22  }
0x3d: {  	s8 =	simm.s32 $0x0;
	s23 =	sand.u32 $0x1F00, s19;
	s24 =	simm.s32 $0x20  }
0x3e: {  	s25 =	simm.s32 $0x40;
	s26 =	simm.s32 $0x30;
	s22 =	sadd.s32 s10, s22  }
0x3f: {  	[tilespmem:s12], [sflag:$0x2] =	stream.linear.gather [hbm4b:s22+s19], $0x1900, $0x38;
	[tilespmem:$0x1BA00] =	vst v63  }
0x40: {  	s28 =	simm.s32 $0x60;
	s29 =	simm.s32 $0x40;
	_ =	swait.ge [sflag:s13], $0x1900  }
0x41: {  	s30 =	simm.s32 $0x80;
	s22 =	sand.u32 $0x60, s8;
	[sflag:s13] =	ssyncset.done $0x0  }
0x42: {  	s31 =	simm.s32 $0x50;
	s22 =	sor.u32 s22, s23;
	[sflag:s13] =	ssyncadd.s32 $0xFFFFE700  }
0x43: {  	s1 =	simm.s32 $0xA0;
	s0 =	simm.s32 $0x60;
	s23 =	sadd.s32 $0x18800, s22;
	v3 =	vld [tilespmem:s22+$0x18800]  }
0x44: {  	s16 =	simm.s32 $0xC0;
	s24 =	sand.u32 $0x60, s24;
	s25 =	sand.u32 $0x3F00, s25;
	v4 =	vld [tilespmem:s23+$0x10]  }
0x45: {  	s26 =	sand.u32 $0x70, s26;
	s28 =	sand.u32 $0x3F00, s28;
	s24 =	sor.u32 s24, s25;
	v2 =	vld [tilespmem:s22+$0x18900]  }
0x46: {  	s9 =	sand.u32 $0x60, s29;
	s17 =	sand.u32 $0x3F00, s30;
	s26 =	sor.u32 s26, s28;
	v8 =	vld [tilespmem:s24+$0x18800]  }
0x47: {  	s1 =	sand.u32 $0x3F00, s1;
	s28 =	sand.u32 $0x70, s31;
	s25 =	sor.u32 s9, s17;
	v9 =	vld [tilespmem:s26+$0x18800]  }
0x48: {  	s0 =	sand.u32 $0x60, s0;
	s16 =	sand.u32 $0x3F00, s16;
	s1 =	sor.u32 s28, s1;
	v5 =	vld [tilespmem:s25+$0x18800]  }
0x49: {  	s5 =	simm.s32 $0xE0;
	s0 =	sor.u32 s0, s16;
	v6 =	vld [tilespmem:s1+$0x18800]  }
0x4a: {  	s5 =	sand.u32 $0x3F00, s5;
	s22 =	simm.s32 $0x70;
	v7 =	vld [tilespmem:s0+$0x18800]  }
0x4b: {  	s8 =	simm.s32 $0x120;
	s23 =	simm.s32 $0x90;
	s22 =	sand.u32 $0x70, s22;
	[tilespmem:v3+s4+$0x0] =	vst.idx.add.f32.msk $0xffff, v1  }
0x4c: {  	s8 =	sand.u32 $0x3F00, s8;
	s30 =	sand.u32 $0x70, s23;
	s5 =	sor.u32 s22, s5;
	[tilespmem:v4+s4+$0x0] =	vst.idx.add.f32.msk $0xffff, v1  }
0x4d: {  	s31 =	sor.u32 s30, s8;
	v4 =	vld [tilespmem:s5+$0x18800]  }
0x4e: {  	s24 =	simm.s32 $0x0;
	s23 =	simm.s32 $0x130;
	s22 =	simm.s32 $0x0;
	v3 =	vld [tilespmem:s31+$0x18800]  }
.LBB2_5:
0x4f: {  	s0 =	sadd.s32 $0xFFFFFF70, s23;
	s22 =	sadd.s32 $0xA, s22;
	[tilespmem:v2+s4+$0x0] =	vst.idx.add.f32.msk $0xffff, v1;
	s24 =	sadd.s32 $0x140, s24  }
0x50: {  	s0 =	sand.u32 $0x60, s0;
	s1 =	sand.u32 $0x1F00, s24;
	p1 =	slt.u32 s22, $0xBE;
	[tilespmem:v8+s4+$0x0] =	vst.idx.add.f32.msk $0xffff, v1  }
0x51: {  	s5 =	sadd.s32 $0x40, s24;
	s0 =	sor.u32 s0, s1;
	s1 =	sadd.s32 $0xFFFFFF90, s23;
	[tilespmem:v9+s4+$0x0] =	vst.idx.add.f32.msk $0xffff, v1  }
0x52: {  	s16 =	sadd.s32 $0xFFFFFFA0, s23;
	s25 =	sadd.s32 $0x60, s24;
	s8 =	sadd.s32 $0x18800, s0;
	v8 =	vld [tilespmem:s0+$0x18800]  }
0x53: {  	s28 =	sadd.s32 $0xFFFFFFC0, s23;
	s26 =	sadd.s32 $0x80, s24;
	v9 =	vld [tilespmem:s8+$0x10];
	s8 =	sadd.s32 $0xFFFFFFB0, s23  }
0x54: {  	s30 =	sadd.s32 $0xFFFFFFD0, s23;
	s29 =	sadd.s32 $0xA0, s24;
	s31 =	sadd.s32 $0xC0, s24;
	v2 =	vld [tilespmem:s0+$0x18900]  }
0x55: {  	s9 =	sadd.s32 $0xE0, s24;
	s17 =	sadd.s32 $0x120, s24;
	s0 =	sadd.s32 $0xFFFFFFE0, s23;
	[tilespmem:v5+s4+$0x0] =	vst.idx.add.f32.msk $0xffff, v1  }
0x56: {  	s16 =	sand.u32 $0x70, s16;
	s5 =	sand.u32 $0x3F00, s5;
	s1 =	sand.u32 $0x60, s1;
	[tilespmem:v6+s4+$0x0] =	vst.idx.add.f32.msk $0xffff, v1  }
0x57: {  	s25 =	sand.u32 $0x3F00, s25;
	s26 =	sand.u32 $0x3F00, s26;
	s8 =	sand.u32 $0x60, s8;
	[tilespmem:v7+s4+$0x0] =	vst.idx.add.f32.msk $0xffff, v1  }
0x58: {  	s28 =	sand.u32 $0x70, s28;
	s30 =	sand.u32 $0x60, s30;
	s29 =	sand.u32 $0x3F00, s29;
	[tilespmem:v4+s4+$0x0] =	vst.idx.add.f32.msk $0xffff, v1  }
0x59: {  	s31 =	sand.u32 $0x3F00, s31;
	s9 =	sand.u32 $0x3F00, s9;
	s0 =	sand.u32 $0x70, s0;
	[tilespmem:v3+s4+$0x0] =	vst.idx.add.f32.msk $0xffff, v1  }
0x5a: {  	s17 =	sand.u32 $0x3F00, s17;
	s1 =	sor.u32 s1, s5;
	s5 =	sand.u32 $0x70, s23;
	[tilespmem:v8+s4+$0x0] =	vst.idx.add.f32.msk $0xffff, v1  }
0x5b: {  	s16 =	sor.u32 s16, s25;
	s25 =	sor.u32 s28, s29;
	s8 =	sor.u32 s8, s26;
	[tilespmem:v9+s4+$0x0] =	vst.idx.add.f32.msk $0xffff, v1  }
0x5c: {  	s5 =	sor.u32 s5, s17;
	s0 =	sor.u32 s0, s9;
	v8 =	vld [tilespmem:s1+$0x18800];
	s1 =	sor.u32 s30, s31  }
0x5d: {  	v9 =	vld [tilespmem:s16+$0x18800]  }
.Ltmp3:
0x5e: {  	v5 =	vld [tilespmem:s8+$0x18800];
	(pc) =	sbr.rel @p1 .LBB2_5-.Ltmp3, $4  }
0x5f: {  	v6 =	vld [tilespmem:s25+$0x18800]  }
0x60: {  	v7 =	vld [tilespmem:s1+$0x18800]  }
0x61: {  	v4 =	vld [tilespmem:s0+$0x18800]  }
0x62: {  	s23 =	sadd.s32 $0xA0, s23;
	v3 =	vld [tilespmem:s5+$0x18800]  }
0x63: {  	_ =	sdelay $0x3  }
0x64: {  	[tilespmem:v2+s4+$0x0] =	vst.idx.add.f32.msk $0xffff, v1  }
0x65: {  	[tilespmem:v8+s4+$0x0] =	vst.idx.add.f32.msk $0xffff, v1  }
0x66: {  	[tilespmem:v9+s4+$0x0] =	vst.idx.add.f32.msk $0xffff, v1;
	p1 =	seq.s32 s20, $0x1E  }
.Ltmp4:
0x67: {  	[tilespmem:v5+s4+$0x0] =	vst.idx.add.f32.msk $0xffff, v1;
	(pc) =	sbr.rel @!p1 .LBB2_7-.Ltmp4, $4  }
0x68: {  	[tilespmem:v6+s4+$0x0] =	vst.idx.add.f32.msk $0xffff, v1  }
0x69: {  	[tilespmem:v7+s4+$0x0] =	vst.idx.add.f32.msk $0xffff, v1  }
0x6a: {  	[tilespmem:v4+s4+$0x0] =	vst.idx.add.f32.msk $0xffff, v1  }
0x6b: {  	[tilespmem:v3+s4+$0x0] =	vst.idx.add.f32.msk $0xffff, v1  }
.Ltmp5:
0x6c: {  	(pc) =	sbr.rel @p0 .LBB2_10-.Ltmp5, $4  }
.Ltmp6:
0x6d: {  	(pc) =	sbr.rel @!p0 .LBB2_9-.Ltmp6, $4  }
0x6e: {  	_ = 	snop  }
0x6f: {  	_ = 	snop  }
0x70: {  	s21 =	smov.u32 s7  }
0x71: {  	_ = 	snop  }
.LBB2_7:
0x72: {  	s0 =	sadd.s32 s6, s21  }
0x73: {  	s21 =	smul.u32 $0x320, s0  }
.LBB2_9:
0x74: {  	_ = 	snop  }
0x75: {  	s0 =	sadd.s32 s2, s21  }
0x76: {  	[tilespmem:s11], [sflag:$0x1] =	stream.linear.gather [hbm4b:s0+s4], $0x1900, $0x38;
	[tilespmem:$0x1BA00] =	vst v63  }
.LBB2_10:
0x77: {  	_ =	swait.ge [sflag:s14], $0x1900  }
0x78: {  	s21 =	simm.s32 $0x0;
	s0 =	simm.s32 $0x0;
	s5 =	simm.s32 $0x20  }
0x79: {  	s8 =	simm.s32 $0x40;
	s9 =	simm.s32 $0x30;
	s16 =	simm.s32 $0x60  }
0x7a: {  	s17 =	simm.s32 $0x40;
	s22 =	simm.s32 $0x80;
	s23 =	simm.s32 $0x50  }
0x7b: {  	[sflag:s14] =	ssyncset.done $0x0;
	s0 =	sand.u32 $0x60, s0;
	s1 =	sand.u32 $0x1F00, s21  }
0x7c: {  	s24 =	simm.s32 $0xA0;
	[sflag:s14] =	ssyncadd.s32 $0xFFFFE700;
	s0 =	sor.u32 s0, s1  }
0x7d: {  	s25 =	simm.s32 $0x60;
	s26 =	simm.s32 $0xC0;
	s31 =	simm.s32 $0x70;
	v3 =	vld [tilespmem:s0+$0x1A100]  }
0x7e: {  	s5 =	sand.u32 $0x60, s5;
	s8 =	sand.u32 $0x3F00, s8;
	s1 =	sadd.s32 $0x1A100, s0;
	v2 =	vld [tilespmem:s0+$0x1A200]  }
0x7f: {  	s9 =	sand.u32 $0x70, s9;
	s16 =	sand.u32 $0x3F00, s16;
	s5 =	sor.u32 s5, s8;
	v4 =	vld [tilespmem:s1+$0x10]  }
0x80: {  	s17 =	sand.u32 $0x60, s17;
	s22 =	sand.u32 $0x3F00, s22;
	s9 =	sor.u32 s9, s16;
	v8 =	vld [tilespmem:s5+$0x1A100]  }
0x81: {  	s23 =	sand.u32 $0x70, s23;
	s24 =	sand.u32 $0x3F00, s24;
	s8 =	sor.u32 s17, s22;
	v9 =	vld [tilespmem:s9+$0x1A100]  }
0x82: {  	s25 =	sand.u32 $0x60, s25;
	s26 =	sand.u32 $0x3F00, s26;
	s5 =	sor.u32 s23, s24;
	v5 =	vld [tilespmem:s8+$0x1A100]  }
0x83: {  	s29 =	simm.s32 $0x120;
	s9 =	sor.u32 s25, s26;
	s1 =	simm.s32 $0x90;
	v6 =	vld [tilespmem:s5+$0x1A100]  }
0x84: {  	s0 =	sand.u32 $0x70, s31;
	s31 =	sand.u32 $0x3F00, s29;
	v7 =	vld [tilespmem:s9+$0x1A100];
	s1 =	sand.u32 $0x70, s1  }
0x85: {  	s28 =	simm.s32 $0xE0;
	s1 =	sor.u32 s1, s31;
	[tilespmem:v3+s4+$0x0] =	vst.idx.add.f32.msk $0xffff, v1  }
0x86: {  	s30 =	sand.u32 $0x3F00, s28;
	v3 =	vld [tilespmem:s1+$0x1A100]  }
0x87: {  	s0 =	sor.u32 s0, s30;
	[tilespmem:v4+s4+$0x0] =	vst.idx.add.f32.msk $0xffff, v1  }
0x88: {  	s22 =	simm.s32 $0x0;
	s23 =	simm.s32 $0x130;
	v4 =	vld [tilespmem:s0+$0x1A100]  }
.LBB2_11:
0x89: {  	s0 =	sadd.s32 $0xFFFFFF70, s23;
	s22 =	sadd.s32 $0xA, s22;
	[tilespmem:v2+s4+$0x0] =	vst.idx.add.f32.msk $0xffff, v1;
	s21 =	sadd.s32 $0x140, s21  }
0x8a: {  	s0 =	sand.u32 $0x60, s0;
	s1 =	sand.u32 $0x1F00, s21;
	p1 =	slt.u32 s22, $0xBE;
	[tilespmem:v8+s4+$0x0] =	vst.idx.add.f32.msk $0xffff, v1  }
0x8b: {  	s5 =	sadd.s32 $0x40, s21;
	s0 =	sor.u32 s0, s1;
	s1 =	sadd.s32 $0xFFFFFF90, s23;
	[tilespmem:v9+s4+$0x0] =	vst.idx.add.f32.msk $0xffff, v1  }
0x8c: {  	s9 =	sadd.s32 $0xFFFFFFA0, s23;
	s16 =	sadd.s32 $0x60, s21;
	s8 =	sadd.s32 $0x1A100, s0;
	v8 =	vld [tilespmem:s0+$0x1A100]  }
0x8d: {  	s24 =	sadd.s32 $0xFFFFFFC0, s23;
	s17 =	sadd.s32 $0x80, s21;
	v9 =	vld [tilespmem:s8+$0x10];
	s8 =	sadd.s32 $0xFFFFFFB0, s23  }
0x8e: {  	s26 =	sadd.s32 $0xFFFFFFD0, s23;
	s25 =	sadd.s32 $0xA0, s21;
	s28 =	sadd.s32 $0xC0, s21;
	v2 =	vld [tilespmem:s0+$0x1A200]  }
0x8f: {  	s29 =	sadd.s32 $0xE0, s21;
	s30 =	sadd.s32 $0x120, s21;
	s0 =	sadd.s32 $0xFFFFFFE0, s23;
	[tilespmem:v5+s4+$0x0] =	vst.idx.add.f32.msk $0xffff, v1  }
0x90: {  	s9 =	sand.u32 $0x70, s9;
	s5 =	sand.u32 $0x3F00, s5;
	s1 =	sand.u32 $0x60, s1;
	[tilespmem:v6+s4+$0x0] =	vst.idx.add.f32.msk $0xffff, v1  }
0x91: {  	s16 =	sand.u32 $0x3F00, s16;
	s17 =	sand.u32 $0x3F00, s17;
	s8 =	sand.u32 $0x60, s8;
	[tilespmem:v7+s4+$0x0] =	vst.idx.add.f32.msk $0xffff, v1  }
0x92: {  	s24 =	sand.u32 $0x70, s24;
	s26 =	sand.u32 $0x60, s26;
	s25 =	sand.u32 $0x3F00, s25;
	[tilespmem:v4+s4+$0x0] =	vst.idx.add.f32.msk $0xffff, v1  }
0x93: {  	s28 =	sand.u32 $0x3F00, s28;
	s29 =	sand.u32 $0x3F00, s29;
	s0 =	sand.u32 $0x70, s0;
	[tilespmem:v3+s4+$0x0] =	vst.idx.add.f32.msk $0xffff, v1  }
0x94: {  	s30 =	sand.u32 $0x3F00, s30;
	s1 =	sor.u32 s1, s5;
	s5 =	sand.u32 $0x70, s23;
	[tilespmem:v8+s4+$0x0] =	vst.idx.add.f32.msk $0xffff, v1  }
0x95: {  	s9 =	sor.u32 s9, s16;
	s16 =	sor.u32 s24, s25;
	s8 =	sor.u32 s8, s17;
	[tilespmem:v9+s4+$0x0] =	vst.idx.add.f32.msk $0xffff, v1  }
0x96: {  	s5 =	sor.u32 s5, s30;
	s0 =	sor.u32 s0, s29;
	v8 =	vld [tilespmem:s1+$0x1A100];
	s1 =	sor.u32 s26, s28  }
0x97: {  	v9 =	vld [tilespmem:s9+$0x1A100]  }
.Ltmp7:
0x98: {  	v5 =	vld [tilespmem:s8+$0x1A100];
	(pc) =	sbr.rel @p1 .LBB2_11-.Ltmp7, $4  }
0x99: {  	v6 =	vld [tilespmem:s16+$0x1A100]  }
0x9a: {  	v7 =	vld [tilespmem:s1+$0x1A100]  }
0x9b: {  	v4 =	vld [tilespmem:s0+$0x1A100]  }
0x9c: {  	s23 =	sadd.s32 $0xA0, s23;
	v3 =	vld [tilespmem:s5+$0x1A100]  }
0x9d: {  	_ =	sdelay $0x3  }
0x9e: {  	[tilespmem:v2+s4+$0x0] =	vst.idx.add.f32.msk $0xffff, v1  }
0x9f: {  	[tilespmem:v8+s4+$0x0] =	vst.idx.add.f32.msk $0xffff, v1;
	s20 =	sadd.s32 $0x1, s20  }
0xa0: {  	[tilespmem:v9+s4+$0x0] =	vst.idx.add.f32.msk $0xffff, v1;
	p1 =	sne.s32 s20, $0x1F  }
.Ltmp8:
0xa1: {  	[tilespmem:v5+s4+$0x0] =	vst.idx.add.f32.msk $0xffff, v1;
	(pc) =	sbr.rel @p1 .LBB2_4-.Ltmp8, $4  }
0xa2: {  	[tilespmem:v6+s4+$0x0] =	vst.idx.add.f32.msk $0xffff, v1  }
0xa3: {  	[tilespmem:v7+s4+$0x0] =	vst.idx.add.f32.msk $0xffff, v1  }
0xa4: {  	[tilespmem:v4+s4+$0x0] =	vst.idx.add.f32.msk $0xffff, v1  }
0xa5: {  	[tilespmem:v3+s4+$0x0] =	vst.idx.add.f32.msk $0xffff, v1  }
.Ltmp9:
0xa6: {  	(pc) =	sbr.rel @p0 .LBB2_17-.Ltmp9, $1  }
0xa7: {  	_ =	sdelay $0x3  }
0xa8: {  	_ =	swait.ge [sflag:s13], $0x1900  }
0xa9: {  	s19 =	simm.s32 $0x0;
	s0 =	simm.s32 $0x0;
	s5 =	simm.s32 $0x20  }
0xaa: {  	s8 =	simm.s32 $0x40;
	s9 =	simm.s32 $0x30;
	s16 =	simm.s32 $0x60  }
0xab: {  	s17 =	simm.s32 $0x40;
	s20 =	simm.s32 $0x80;
	s21 =	simm.s32 $0x50  }
0xac: {  	[sflag:s13] =	ssyncset.done $0x0;
	s0 =	sand.u32 $0x60, s0;
	s1 =	sand.u32 $0x1F00, s19  }
0xad: {  	s22 =	simm.s32 $0xA0;
	[sflag:s13] =	ssyncadd.s32 $0xFFFFE700;
	s0 =	sor.u32 s0, s1  }
0xae: {  	s23 =	simm.s32 $0x60;
	s24 =	simm.s32 $0xC0;
	s31 =	simm.s32 $0x70;
	v3 =	vld [tilespmem:s0+$0x18800]  }
0xaf: {  	s5 =	sand.u32 $0x60, s5;
	s8 =	sand.u32 $0x3F00, s8;
	s1 =	sadd.s32 $0x18800, s0;
	v2 =	vld [tilespmem:s0+$0x18900]  }
0xb0: {  	s9 =	sand.u32 $0x70, s9;
	s16 =	sand.u32 $0x3F00, s16;
	s5 =	sor.u32 s5, s8;
	v4 =	vld [tilespmem:s1+$0x10]  }
0xb1: {  	s17 =	sand.u32 $0x60, s17;
	s20 =	sand.u32 $0x3F00, s20;
	s9 =	sor.u32 s9, s16;
	v8 =	vld [tilespmem:s5+$0x18800]  }
0xb2: {  	s21 =	sand.u32 $0x70, s21;
	s22 =	sand.u32 $0x3F00, s22;
	s8 =	sor.u32 s17, s20;
	v9 =	vld [tilespmem:s9+$0x18800]  }
0xb3: {  	s28 =	sand.u32 $0x60, s23;
	s29 =	sand.u32 $0x3F00, s24;
	s5 =	sor.u32 s21, s22;
	v5 =	vld [tilespmem:s8+$0x18800]  }
0xb4: {  	s26 =	simm.s32 $0x120;
	s9 =	sor.u32 s28, s29;
	s1 =	simm.s32 $0x90;
	v6 =	vld [tilespmem:s5+$0x18800]  }
0xb5: {  	s0 =	sand.u32 $0x70, s31;
	s31 =	sand.u32 $0x3F00, s26;
	v7 =	vld [tilespmem:s9+$0x18800];
	s1 =	sand.u32 $0x70, s1  }
0xb6: {  	s25 =	simm.s32 $0xE0;
	s1 =	sor.u32 s1, s31;
	[tilespmem:v3+s4+$0x0] =	vst.idx.add.f32.msk $0xffff, v1  }
0xb7: {  	s30 =	sand.u32 $0x3F00, s25;
	v3 =	vld [tilespmem:s1+$0x18800]  }
0xb8: {  	s0 =	sor.u32 s0, s30;
	[tilespmem:v4+s4+$0x0] =	vst.idx.add.f32.msk $0xffff, v1  }
0xb9: {  	s20 =	simm.s32 $0x0;
	s21 =	simm.s32 $0x130;
	v4 =	vld [tilespmem:s0+$0x18800]  }
.LBB2_15:
0xba: {  	s0 =	sadd.s32 $0xFFFFFF70, s21;
	s20 =	sadd.s32 $0xA, s20;
	[tilespmem:v2+s4+$0x0] =	vst.idx.add.f32.msk $0xffff, v1;
	s19 =	sadd.s32 $0x140, s19  }
0xbb: {  	s0 =	sand.u32 $0x60, s0;
	s1 =	sand.u32 $0x1F00, s19;
	p1 =	slt.u32 s20, $0xBE;
	[tilespmem:v8+s4+$0x0] =	vst.idx.add.f32.msk $0xffff, v1  }
0xbc: {  	s5 =	sadd.s32 $0x40, s19;
	s0 =	sor.u32 s0, s1;
	s1 =	sadd.s32 $0xFFFFFF90, s21;
	[tilespmem:v9+s4+$0x0] =	vst.idx.add.f32.msk $0xffff, v1  }
0xbd: {  	s9 =	sadd.s32 $0xFFFFFFA0, s21;
	s16 =	sadd.s32 $0x60, s19;
	s8 =	sadd.s32 $0x18800, s0;
	v8 =	vld [tilespmem:s0+$0x18800]  }
0xbe: {  	s22 =	sadd.s32 $0xFFFFFFC0, s21;
	s17 =	sadd.s32 $0x80, s19;
	v9 =	vld [tilespmem:s8+$0x10];
	s8 =	sadd.s32 $0xFFFFFFB0, s21  }
0xbf: {  	s24 =	sadd.s32 $0xFFFFFFD0, s21;
	s23 =	sadd.s32 $0xA0, s19;
	s25 =	sadd.s32 $0xC0, s19;
	v2 =	vld [tilespmem:s0+$0x18900]  }
0xc0: {  	s26 =	sadd.s32 $0xE0, s19;
	s28 =	sadd.s32 $0x120, s19;
	s0 =	sadd.s32 $0xFFFFFFE0, s21;
	[tilespmem:v5+s4+$0x0] =	vst.idx.add.f32.msk $0xffff, v1  }
0xc1: {  	s9 =	sand.u32 $0x70, s9;
	s5 =	sand.u32 $0x3F00, s5;
	s1 =	sand.u32 $0x60, s1;
	[tilespmem:v6+s4+$0x0] =	vst.idx.add.f32.msk $0xffff, v1  }
0xc2: {  	s16 =	sand.u32 $0x3F00, s16;
	s17 =	sand.u32 $0x3F00, s17;
	s8 =	sand.u32 $0x60, s8;
	[tilespmem:v7+s4+$0x0] =	vst.idx.add.f32.msk $0xffff, v1  }
0xc3: {  	s22 =	sand.u32 $0x70, s22;
	s24 =	sand.u32 $0x60, s24;
	s23 =	sand.u32 $0x3F00, s23;
	[tilespmem:v4+s4+$0x0] =	vst.idx.add.f32.msk $0xffff, v1  }
0xc4: {  	s25 =	sand.u32 $0x3F00, s25;
	s26 =	sand.u32 $0x3F00, s26;
	s0 =	sand.u32 $0x70, s0;
	[tilespmem:v3+s4+$0x0] =	vst.idx.add.f32.msk $0xffff, v1  }
0xc5: {  	s28 =	sand.u32 $0x3F00, s28;
	s1 =	sor.u32 s1, s5;
	s5 =	sand.u32 $0x70, s21;
	[tilespmem:v8+s4+$0x0] =	vst.idx.add.f32.msk $0xffff, v1  }
0xc6: {  	s9 =	sor.u32 s9, s16;
	s16 =	sor.u32 s22, s23;
	s8 =	sor.u32 s8, s17;
	[tilespmem:v9+s4+$0x0] =	vst.idx.add.f32.msk $0xffff, v1  }
0xc7: {  	s5 =	sor.u32 s5, s28;
	s0 =	sor.u32 s0, s26;
	v8 =	vld [tilespmem:s1+$0x18800];
	s1 =	sor.u32 s24, s25  }
0xc8: {  	v9 =	vld [tilespmem:s9+$0x18800]  }
.Ltmp10:
0xc9: {  	v5 =	vld [tilespmem:s8+$0x18800];
	(pc) =	sbr.rel @p1 .LBB2_15-.Ltmp10, $4  }
0xca: {  	v6 =	vld [tilespmem:s16+$0x18800]  }
0xcb: {  	v7 =	vld [tilespmem:s1+$0x18800]  }
0xcc: {  	v4 =	vld [tilespmem:s0+$0x18800]  }
0xcd: {  	s21 =	sadd.s32 $0xA0, s21;
	v3 =	vld [tilespmem:s5+$0x18800]  }
0xce: {  	_ =	sdelay $0x3  }
0xcf: {  	[tilespmem:v2+s4+$0x0] =	vst.idx.add.f32.msk $0xffff, v1  }
0xd0: {  	[tilespmem:v8+s4+$0x0] =	vst.idx.add.f32.msk $0xffff, v1  }
0xd1: {  	[tilespmem:v9+s4+$0x0] =	vst.idx.add.f32.msk $0xffff, v1  }
.Ltmp11:
0xd2: {  	[tilespmem:v5+s4+$0x0] =	vst.idx.add.f32.msk $0xffff, v1;
	(pc) =	sbr.rel .LBB2_17-.Ltmp11, $4  }
0xd3: {  	[tilespmem:v6+s4+$0x0] =	vst.idx.add.f32.msk $0xffff, v1  }
0xd4: {  	[tilespmem:v7+s4+$0x0] =	vst.idx.add.f32.msk $0xffff, v1  }
0xd5: {  	[tilespmem:v4+s4+$0x0] =	vst.idx.add.f32.msk $0xffff, v1  }
0xd6: {  	[tilespmem:v3+s4+$0x0] =	vst.idx.add.f32.msk $0xffff, v1  }
.LBB2_18:
0xd7: {  	_ =	sfence.sel $0x180000  }
0xd8: {  	[bflag:$0x0] =	sbarrier.arrive $0xFFFF  }
0xd9: {  	_ =	strace $0x90000047  }
0xda: {  	s0 =	stileid.u32;
	[bflag:$0x2] =	sbarrier.arrive $0xFFFF  }
0xdb: {  	p0 =	sne.s32 s0, $0x0;
	s0 =	rddreg [dreg:$0x2]  }
0xdc: {  	s0 =	sadd.s32 @!p0 $0x100000, s0  }
0xdd: {  	[sflag:s0] =	ssyncadd.tile.s32 @!p0 $0x1;
	_ =	shalt  }
.Lfunc_end2:
_tile_overlayer_lowered:
.L_overlay_start_2:
0xde: {  	(tag) =	ssettag $0x2  }
0xdf: {  	s0 =	rddreg [dreg:$0x0];
	s2 =	stileid.u32  }
0xe0: {  	s1 =	rddreg [dreg:$0x1];
	p0 =	sne.s32 s2, $0x0  }
0xe1: {  	s3 =	rddreg [dreg:$0x2];
	[bflag:$0x3] =	sbarrier.arrive $0xFFFF;
	s2 =	simm.s32 @!p0 $0x1C03  }
0xe2: {  	[timem:s3], [sflag:s2] =	dma.local @!p0 [hbm:s0], s1  }
0xe3: {  	s0 =	simm.s32 @!p0 $0x3  }
0xe4: {  	_ =	swait.ge @!p0 [sflag:s0], s1  }
0xe5: {  	s1 =	ssub.s32 @!p0 $0x0, s1;
	[sflag:s0] =	ssyncset.done @!p0 $0x0  }
0xe6: {  	[sflag:s0] =	ssyncadd.s32 @!p0 s1  }
0xe7: {  	[bflag:$0x3] =	sbarrier.arrive $0xFFFF  }
0xe8: {  	_ =	shalt  }

</sc_bundles>
